<compile_context>
chip_gen: v7x
topology: tpu7x:2x2x1
jax: 0.10.2.dev20260603
libtpu: 0.0.44.dev20260713+nightly
codegen_flags: <defaults>
</compile_context>

<pallas_src>
import functools

import jax
import jax.numpy as jnp
from jax import lax
from jax.experimental import pallas as pl
from jax.experimental.pallas import tpu as pltpu
from jax.experimental.pallas import tpu_sc as plsc

N = 10000
E = 320000
C = 128
NC, NS = 2, 16
NW = NC * NS
E_TILE = E // NW
CHUNK = 50
NCHUNK = E_TILE // CHUNK
N_PAD = 10240
ROWS_TILE = N_PAD // NS

_sc_mesh = plsc.VectorSubcoreMesh(core_axis_name="c", subcore_axis_name="s")


@functools.partial(
    pl.kernel,
    mesh=_sc_mesh,
    out_type=(
        jax.ShapeDtypeStruct((NC, N_PAD, C), jnp.float32),
        jax.ShapeDtypeStruct((NC, N_PAD, 16), jnp.float32),
    ),
    scratch_types=[
        pltpu.VMEM((NCHUNK, CHUNK), jnp.int32),
        pltpu.VMEM((NCHUNK, CHUNK), jnp.int32),
        pltpu.VMEM((CHUNK, C), jnp.float32),
        pltpu.VMEM((CHUNK, C), jnp.float32),
        pltpu.VMEM((CHUNK, 16), jnp.float32),
        pltpu.VMEM_SHARED((N_PAD, C), jnp.float32),
        pltpu.VMEM_SHARED((N_PAD, 16), jnp.float32),
        pltpu.SemaphoreType.DMA,
        pltpu.SemaphoreType.DMA,
    ],
    compiler_params=pltpu.CompilerParams(use_tc_tiling_on_sc=False),
)
def _sc_aggregate(xaug_hbm, src_hbm, dst_hbm, za_hbm, zb_hbm, ones_hbm,
                  out_hbm, deg_hbm,
                  src_v, dst_v, buf0, buf1, ones_v, acc_sh, deg_sh,
                  sem0, sem1):
    c = lax.axis_index("c")
    s = lax.axis_index("s")
    pltpu.sync_copy(za_hbm.at[pl.ds(s * ROWS_TILE, ROWS_TILE)],
                    acc_sh.at[pl.ds(s * ROWS_TILE, ROWS_TILE)])
    pltpu.sync_copy(zb_hbm.at[pl.ds(s * ROWS_TILE, ROWS_TILE)],
                    deg_sh.at[pl.ds(s * ROWS_TILE, ROWS_TILE)])
    pltpu.sync_copy(ones_hbm, ones_v)
    pltpu.sync_copy(src_hbm.at[c, s], src_v)
    pltpu.sync_copy(dst_hbm.at[c, s], dst_v)
    plsc.subcore_barrier()

    def gather(j, buf, sem):
        pltpu.async_copy(xaug_hbm.at[src_v.at[j]], buf, sem)

    def gwait(buf, sem):
        pltpu.make_async_copy(xaug_hbm.at[src_v.at[0]], buf, sem).wait()

    gather(0, buf0, sem0)

    def body(i, _):
        j0 = 2 * i
        gather(lax.rem(j0 + 1, NCHUNK), buf1, sem1)
        gwait(buf0, sem0)
        pltpu.sync_copy(buf0, acc_sh.at[dst_v.at[j0]], add=True)
        pltpu.sync_copy(ones_v, deg_sh.at[dst_v.at[j0]], add=True)
        gather(lax.rem(j0 + 2, NCHUNK), buf0, sem0)
        gwait(buf1, sem1)
        pltpu.sync_copy(buf1, acc_sh.at[dst_v.at[j0 + 1]], add=True)
        pltpu.sync_copy(ones_v, deg_sh.at[dst_v.at[j0 + 1]], add=True)
        return ()

    lax.fori_loop(0, NCHUNK // 2, body, ())
    gwait(buf0, sem0)
    plsc.subcore_barrier()
    pltpu.sync_copy(acc_sh.at[pl.ds(s * ROWS_TILE, ROWS_TILE)],
                    out_hbm.at[c].at[pl.ds(s * ROWS_TILE, ROWS_TILE)])
    pltpu.sync_copy(deg_sh.at[pl.ds(s * ROWS_TILE, ROWS_TILE)],
                    deg_hbm.at[c].at[pl.ds(s * ROWS_TILE, ROWS_TILE)])


BLK = 1000


def _tc_combine_body(acc_ref, deg_ref, x_ref, wl_ref, wr_ref, b_ref, out_ref):
    a = acc_ref[0] + acc_ref[1]
    d = deg_ref[0] + deg_ref[1]
    scale = 1.0 / jnp.maximum(d[:, 0:1], 1.0)
    agg = a * scale
    dn = (((1,), (1,)), ((), ()))
    out_ref[...] = (
        lax.dot_general(agg, wl_ref[...], dn, preferred_element_type=jnp.float32)
        + lax.dot_general(x_ref[...], wr_ref[...], dn, preferred_element_type=jnp.float32)
        + b_ref[...]
    )


def _tc_combine(acc, deg, x, W_l, W_r, b_l):
    return pl.pallas_call(
        _tc_combine_body,
        grid=(N // BLK,),
        in_specs=[
            pl.BlockSpec((NC, BLK, C), lambda i: (0, i, 0)),
            pl.BlockSpec((NC, BLK, 16), lambda i: (0, i, 0)),
            pl.BlockSpec((BLK, C), lambda i: (i, 0)),
            pl.BlockSpec((C, C), lambda i: (0, 0)),
            pl.BlockSpec((C, C), lambda i: (0, 0)),
            pl.BlockSpec((1, C), lambda i: (0, 0)),
        ],
        out_specs=pl.BlockSpec((BLK, C), lambda i: (i, 0)),
        out_shape=jax.ShapeDtypeStruct((N, C), jnp.float32),
    )(acc, deg, x, W_l, W_r, b_l)


def kernel(x, edge_index, W_l, b_l, W_r):
    src = edge_index[0].reshape(NC, NS, NCHUNK, CHUNK)
    dst = edge_index[1].reshape(NC, NS, NCHUNK, CHUNK)
    za = jnp.zeros((N_PAD, C), jnp.float32)
    zb = jnp.zeros((N_PAD, 16), jnp.float32)
    ones = jnp.ones((CHUNK, 16), jnp.float32)
    acc, deg = _sc_aggregate(x, src, dst, za, zb, ones)
    return _tc_combine(acc, deg, x, W_l, W_r, b_l.reshape(1, C))

# --- scband reference (transcript-rebuilt; emitter-appended) ---
"""Pipeline reference for scband-sage-20401094656416 (READ-ONLY COPY).

The authoritative reference and input builder live on the scoring server;
editing this copy changes nothing except your own understanding.
"""

import jax, jax.numpy as jnp
import numpy as np

N, E, C_IN, C_OUT = 10000, 320000, 128, 128

def setup_inputs(seed: int = 0) -> dict:
    key = jax.random.key(seed)
    k1, k2, k3, k4, k5 = jax.random.split(key, 5)
    x = jax.random.normal(k1, (N, C_IN), dtype=jnp.float32)
    edge_index = jax.random.randint(k2, (2, E), 0, N, dtype=jnp.int32)
    # SAGEConv params: lin_l (neighbor aggregation, with bias), lin_r (root, no bias)
    bound = 1.0 / np.sqrt(C_IN)
    W_l = jax.random.uniform(k3, (C_OUT, C_IN), minval=-bound, maxval=bound, dtype=jnp.float32)
    b_l = jnp.zeros((C_OUT,), dtype=jnp.float32)
    W_r = jax.random.uniform(k4, (C_OUT, C_IN), minval=-bound, maxval=bound, dtype=jnp.float32)
    return {"x": x, "edge_index": edge_index, "W_l": W_l, "b_l": b_l, "W_r": W_r}

def reference(x, edge_index, W_l, b_l, W_r):
    # Single SAGEConv layer (mean aggregation), matching PyG SAGEConv defaults:
    # out = lin_l(mean_{j in N(i)} x_j) + lin_r(x_i)
    n = x.shape[0]
    src = edge_index[0]
    dst = edge_index[1]
    msgs = jnp.take(x, src, axis=0)                      # gather source features [E, C]
    summed = jax.ops.segment_sum(msgs, dst, num_segments=n)
    deg = jax.ops.segment_sum(jnp.ones((src.shape[0],), dtype=x.dtype), dst, num_segments=n)
    agg = summed / jnp.clip(deg, 1.0, None)[:, None]     # mean aggregation
    out = agg @ W_l.T + b_l + x @ W_r.T
    return out

if __name__ == "__main__":
    import jax
    _d = setup_inputs()
    print(jax.jit(kernel)(*tuple(_d.values())))

</pallas_src>

<mosaic_0001>
#map = affine_map<(d0, d1) -> (0, 0)>
#map1 = affine_map<(d0, d1) -> (0, 0, 0, 0)>
#map2 = affine_map<(d0, d1) -> (0, 0, 0)>
module attributes {stable_mosaic.version = 14 : i64} {
  func.func @_sc_aggregate(%arg0: i32, %arg1: i32, %arg2: memref<10000x128xf32, #tpu.memory_space<hbm>>, %arg3: memref<2x16x200x50xi32, #tpu.memory_space<hbm>>, %arg4: memref<2x16x200x50xi32, #tpu.memory_space<hbm>>, %arg5: memref<10240x128xf32, #tpu.memory_space<hbm>>, %arg6: memref<10240x16xf32, #tpu.memory_space<hbm>>, %arg7: memref<50x16xf32, #tpu.memory_space<hbm>>, %arg8: memref<2x10240x128xf32, #tpu.memory_space<hbm>>, %arg9: memref<2x10240x16xf32, #tpu.memory_space<hbm>>, %arg10: memref<200x50xi32, #tpu.memory_space<vmem>>, %arg11: memref<200x50xi32, #tpu.memory_space<vmem>>, %arg12: memref<50x128xf32, #tpu.memory_space<vmem>>, %arg13: memref<50x128xf32, #tpu.memory_space<vmem>>, %arg14: memref<50x16xf32, #tpu.memory_space<vmem>>, %arg15: memref<10240x128xf32, #tpu.memory_space<vmem_shared>>, %arg16: memref<10240x16xf32, #tpu.memory_space<vmem_shared>>, %arg17: memref<!tpu.dma_semaphore, #tpu.memory_space<semaphore_mem>>, %arg18: memref<!tpu.dma_semaphore, #tpu.memory_space<semaphore_mem>>) attributes {dimension_semantics = [#tpu.dimension_semantics<core_parallel>, #tpu.dimension_semantics<subcore_parallel>], iteration_bounds = array<i64: 2, 16>, scalar_prefetch = 0 : i64, scratch_operands = 9 : i64, tpu.core_type = #tpu.core_type<sc_vector_subcore>, window_params = [{transform_indices = #map}, {transform_indices = #map1}, {transform_indices = #map1}, {transform_indices = #map}, {transform_indices = #map}, {transform_indices = #map}, {transform_indices = #map2}, {transform_indices = #map2}]} {
    %mul3A = arith.constant 640 : i32
    %mul3A_0 = arith.muli %arg1, %mul3A : i32
    %mul3A_1 = arith.constant 640 : i32
    %mul3A_2 = arith.muli %arg1, %mul3A_1 : i32
    "tpu.region"() ({
      %run_scoped3A = tpu.sem_alloc : memref<!tpu.dma_semaphore, #tpu.memory_space<semaphore_mem>>
      %dma_start3A_32 = arith.constant 0 : i32
      %dma_start3A_33 = tpu.memref_slice %arg15[%mul3A_2, %dma_start3A_32] : memref<10240x128xf32, #tpu.memory_space<vmem_shared>> -> memref<640x128xf32, #tpu.memory_space<vmem_shared>>
      %dma_start3A_34 = arith.constant 0 : i32
      %dma_start3A_35 = tpu.memref_slice %arg5[%mul3A_0, %dma_start3A_34] : memref<10240x128xf32, #tpu.memory_space<hbm>> -> memref<640x128xf32, #tpu.memory_space<hbm>>
      tpu.enqueue_dma source(%dma_start3A_35 : memref<640x128xf32, #tpu.memory_space<hbm>>) target(%dma_start3A_33 : memref<640x128xf32, #tpu.memory_space<vmem_shared>>) target_semaphore(%run_scoped3A : memref<!tpu.dma_semaphore, #tpu.memory_space<semaphore_mem>>)
      %dma_wait3A_36 = arith.constant 0 : i32
      %dma_wait3A_37 = tpu.memref_slice %arg15[%mul3A_2, %dma_wait3A_36] : memref<10240x128xf32, #tpu.memory_space<vmem_shared>> -> memref<640x128xf32, #tpu.memory_space<vmem_shared>>
      %dma_wait3A_38 = arith.constant 0 : i32
      %dma_wait3A_39 = tpu.memref_slice %arg5[%mul3A_0, %dma_wait3A_38] : memref<10240x128xf32, #tpu.memory_space<hbm>> -> memref<640x128xf32, #tpu.memory_space<hbm>>
      tpu.wait_dma2 semaphore(%run_scoped3A : memref<!tpu.dma_semaphore, #tpu.memory_space<semaphore_mem>>) src(%dma_wait3A_39 : memref<640x128xf32, #tpu.memory_space<hbm>>) dst(%dma_wait3A_37 : memref<640x128xf32, #tpu.memory_space<vmem_shared>>)
      tpu.yield
    }) : () -> ()
    %mul3A_3 = arith.constant 640 : i32
    %mul3A_4 = arith.muli %arg1, %mul3A_3 : i32
    %mul3A_5 = arith.constant 640 : i32
    %mul3A_6 = arith.muli %arg1, %mul3A_5 : i32
    "tpu.region"() ({
      %run_scoped3A = tpu.sem_alloc : memref<!tpu.dma_semaphore, #tpu.memory_space<semaphore_mem>>
      %dma_start3A_32 = arith.constant 0 : i32
      %dma_start3A_33 = tpu.memref_slice %arg16[%mul3A_6, %dma_start3A_32] : memref<10240x16xf32, #tpu.memory_space<vmem_shared>> -> memref<640x16xf32, #tpu.memory_space<vmem_shared>>
      %dma_start3A_34 = arith.constant 0 : i32
      %dma_start3A_35 = tpu.memref_slice %arg6[%mul3A_4, %dma_start3A_34] : memref<10240x16xf32, #tpu.memory_space<hbm>> -> memref<640x16xf32, #tpu.memory_space<hbm>>
      tpu.enqueue_dma source(%dma_start3A_35 : memref<640x16xf32, #tpu.memory_space<hbm>>) target(%dma_start3A_33 : memref<640x16xf32, #tpu.memory_space<vmem_shared>>) target_semaphore(%run_scoped3A : memref<!tpu.dma_semaphore, #tpu.memory_space<semaphore_mem>>)
      %dma_wait3A_36 = arith.constant 0 : i32
      %dma_wait3A_37 = tpu.memref_slice %arg16[%mul3A_6, %dma_wait3A_36] : memref<10240x16xf32, #tpu.memory_space<vmem_shared>> -> memref<640x16xf32, #tpu.memory_space<vmem_shared>>
      %dma_wait3A_38 = arith.constant 0 : i32
      %dma_wait3A_39 = tpu.memref_slice %arg6[%mul3A_4, %dma_wait3A_38] : memref<10240x16xf32, #tpu.memory_space<hbm>> -> memref<640x16xf32, #tpu.memory_space<hbm>>
      tpu.wait_dma2 semaphore(%run_scoped3A : memref<!tpu.dma_semaphore, #tpu.memory_space<semaphore_mem>>) src(%dma_wait3A_39 : memref<640x16xf32, #tpu.memory_space<hbm>>) dst(%dma_wait3A_37 : memref<640x16xf32, #tpu.memory_space<vmem_shared>>)
      tpu.yield
    }) : () -> ()
    "tpu.region"() ({
      %run_scoped3A = tpu.sem_alloc : memref<!tpu.dma_semaphore, #tpu.memory_space<semaphore_mem>>
      tpu.enqueue_dma source(%arg7 : memref<50x16xf32, #tpu.memory_space<hbm>>) target(%arg14 : memref<50x16xf32, #tpu.memory_space<vmem>>) target_semaphore(%run_scoped3A : memref<!tpu.dma_semaphore, #tpu.memory_space<semaphore_mem>>)
      tpu.wait_dma2 semaphore(%run_scoped3A : memref<!tpu.dma_semaphore, #tpu.memory_space<semaphore_mem>>) src(%arg7 : memref<50x16xf32, #tpu.memory_space<hbm>>) dst(%arg14 : memref<50x16xf32, #tpu.memory_space<vmem>>)
      tpu.yield
    }) : () -> ()
    "tpu.region"() ({
      %run_scoped3A = tpu.sem_alloc : memref<!tpu.dma_semaphore, #tpu.memory_space<semaphore_mem>>
      %dma_start3A_32 = arith.constant 0 : i32
      %dma_start3A_33 = arith.constant 0 : i32
      %dma_start3A_34 = tpu.memref_slice %arg3[%arg0, %arg1, %dma_start3A_32, %dma_start3A_33] : memref<2x16x200x50xi32, #tpu.memory_space<hbm>> -> memref<1x1x200x50xi32, #tpu.memory_space<hbm>>
      %dma_start3A_35 = tpu.memref_squeeze %dma_start3A_34 : memref<1x1x200x50xi32, #tpu.memory_space<hbm>> -> memref<200x50xi32, #tpu.memory_space<hbm>>
      %dma_start3A_36 = arith.constant 0 : i32
      %dma_start3A_37 = arith.constant 0 : i32
      %dma_start3A_38 = tpu.memref_slice %arg3[%arg0, %arg1, %dma_start3A_36, %dma_start3A_37] : memref<2x16x200x50xi32, #tpu.memory_space<hbm>> -> memref<1x1x200x50xi32, #tpu.memory_space<hbm>>
      %dma_start3A_39 = tpu.memref_squeeze %dma_start3A_38 : memref<1x1x200x50xi32, #tpu.memory_space<hbm>> -> memref<200x50xi32, #tpu.memory_space<hbm>>
      tpu.enqueue_dma source(%dma_start3A_39 : memref<200x50xi32, #tpu.memory_space<hbm>>) target(%arg10 : memref<200x50xi32, #tpu.memory_space<vmem>>) target_semaphore(%run_scoped3A : memref<!tpu.dma_semaphore, #tpu.memory_space<semaphore_mem>>)
      %dma_wait3A_40 = arith.constant 0 : i32
      %dma_wait3A_41 = arith.constant 0 : i32
      %dma_wait3A_42 = tpu.memref_slice %arg3[%arg0, %arg1, %dma_wait3A_40, %dma_wait3A_41] : memref<2x16x200x50xi32, #tpu.memory_space<hbm>> -> memref<1x1x200x50xi32, #tpu.memory_space<hbm>>
      %dma_wait3A_43 = tpu.memref_squeeze %dma_wait3A_42 : memref<1x1x200x50xi32, #tpu.memory_space<hbm>> -> memref<200x50xi32, #tpu.memory_space<hbm>>
      %dma_wait3A_44 = arith.constant 0 : i32
      %dma_wait3A_45 = arith.constant 0 : i32
      %dma_wait3A_46 = tpu.memref_slice %arg3[%arg0, %arg1, %dma_wait3A_44, %dma_wait3A_45] : memref<2x16x200x50xi32, #tpu.memory_space<hbm>> -> memref<1x1x200x50xi32, #tpu.memory_space<hbm>>
      %dma_wait3A_47 = tpu.memref_squeeze %dma_wait3A_46 : memref<1x1x200x50xi32, #tpu.memory_space<hbm>> -> memref<200x50xi32, #tpu.memory_space<hbm>>
      tpu.wait_dma2 semaphore(%run_scoped3A : memref<!tpu.dma_semaphore, #tpu.memory_space<semaphore_mem>>) src(%dma_wait3A_47 : memref<200x50xi32, #tpu.memory_space<hbm>>) dst(%arg10 : memref<200x50xi32, #tpu.memory_space<vmem>>)
      tpu.yield
    }) : () -> ()
    "tpu.region"() ({
      %run_scoped3A = tpu.sem_alloc : memref<!tpu.dma_semaphore, #tpu.memory_space<semaphore_mem>>
      %dma_start3A_32 = arith.constant 0 : i32
      %dma_start3A_33 = arith.constant 0 : i32
      %dma_start3A_34 = tpu.memref_slice %arg4[%arg0, %arg1, %dma_start3A_32, %dma_start3A_33] : memref<2x16x200x50xi32, #tpu.memory_space<hbm>> -> memref<1x1x200x50xi32, #tpu.memory_space<hbm>>
      %dma_start3A_35 = tpu.memref_squeeze %dma_start3A_34 : memref<1x1x200x50xi32, #tpu.memory_space<hbm>> -> memref<200x50xi32, #tpu.memory_space<hbm>>
      %dma_start3A_36 = arith.constant 0 : i32
      %dma_start3A_37 = arith.constant 0 : i32
      %dma_start3A_38 = tpu.memref_slice %arg4[%arg0, %arg1, %dma_start3A_36, %dma_start3A_37] : memref<2x16x200x50xi32, #tpu.memory_space<hbm>> -> memref<1x1x200x50xi32, #tpu.memory_space<hbm>>
      %dma_start3A_39 = tpu.memref_squeeze %dma_start3A_38 : memref<1x1x200x50xi32, #tpu.memory_space<hbm>> -> memref<200x50xi32, #tpu.memory_space<hbm>>
      tpu.enqueue_dma source(%dma_start3A_39 : memref<200x50xi32, #tpu.memory_space<hbm>>) target(%arg11 : memref<200x50xi32, #tpu.memory_space<vmem>>) target_semaphore(%run_scoped3A : memref<!tpu.dma_semaphore, #tpu.memory_space<semaphore_mem>>)
      %dma_wait3A_40 = arith.constant 0 : i32
      %dma_wait3A_41 = arith.constant 0 : i32
      %dma_wait3A_42 = tpu.memref_slice %arg4[%arg0, %arg1, %dma_wait3A_40, %dma_wait3A_41] : memref<2x16x200x50xi32, #tpu.memory_space<hbm>> -> memref<1x1x200x50xi32, #tpu.memory_space<hbm>>
      %dma_wait3A_43 = tpu.memref_squeeze %dma_wait3A_42 : memref<1x1x200x50xi32, #tpu.memory_space<hbm>> -> memref<200x50xi32, #tpu.memory_space<hbm>>
      %dma_wait3A_44 = arith.constant 0 : i32
      %dma_wait3A_45 = arith.constant 0 : i32
      %dma_wait3A_46 = tpu.memref_slice %arg4[%arg0, %arg1, %dma_wait3A_44, %dma_wait3A_45] : memref<2x16x200x50xi32, #tpu.memory_space<hbm>> -> memref<1x1x200x50xi32, #tpu.memory_space<hbm>>
      %dma_wait3A_47 = tpu.memref_squeeze %dma_wait3A_46 : memref<1x1x200x50xi32, #tpu.memory_space<hbm>> -> memref<200x50xi32, #tpu.memory_space<hbm>>
      tpu.wait_dma2 semaphore(%run_scoped3A : memref<!tpu.dma_semaphore, #tpu.memory_space<semaphore_mem>>) src(%dma_wait3A_47 : memref<200x50xi32, #tpu.memory_space<hbm>>) dst(%arg11 : memref<200x50xi32, #tpu.memory_space<vmem>>)
      tpu.yield
    }) : () -> ()
    %barrier3A = arith.constant 0 : index
    tpu.barrier barrier_id(%barrier3A)
    %dma_start3A = arith.constant 0 : i32
    %dma_start3A_7 = arith.constant 0 : i32
    %dma_start3A_8 = tpu.memref_slice %arg10[%dma_start3A, %dma_start3A_7] : memref<200x50xi32, #tpu.memory_space<vmem>> -> memref<1x50xi32, #tpu.memory_space<vmem>>
    %dma_start3A_9 = tpu.memref_squeeze %dma_start3A_8 : memref<1x50xi32, #tpu.memory_space<vmem>> -> memref<50xi32, #tpu.memory_space<vmem>>
    %dma_start3A_10 = arith.constant 0 : i32
    %dma_start3A_11 = arith.constant 0 : i32
    %dma_start3A_12 = tpu.memref_slice %arg2[%dma_start3A_10, %dma_start3A_11] : memref<10000x128xf32, #tpu.memory_space<hbm>> -> memref<10000x128xf32, #tpu.memory_space<hbm>>
    tpu.enqueue_indirect_dma source(%dma_start3A_12 : memref<10000x128xf32, #tpu.memory_space<hbm>>) target(%arg12 : memref<50x128xf32, #tpu.memory_space<vmem>>) offsets(%dma_start3A_9 : memref<50xi32, #tpu.memory_space<vmem>>) semaphore(%arg17 : memref<!tpu.dma_semaphore, #tpu.memory_space<semaphore_mem>>)
    %scan3A = arith.constant 0 : i32
    %scan3A_13 = arith.constant 100 : i32
    %scan3A_14 = arith.addi %scan3A, %scan3A_13 : i32
    %scan3A_15 = arith.constant 1 : i32
    scf.for %scan3A_32 = %scan3A to %scan3A_14 step %scan3A_15  : i32 {
      %mul3A_33 = arith.constant 2 : i32
      %mul3A_34 = arith.muli %mul3A_33, %scan3A_32 : i32
      %add3A = arith.constant 1 : i32
      %add3A_35 = arith.addi %mul3A_34, %add3A : i32
      %rem3A = arith.constant 200 : i32
      %rem3A_36 = arith.remsi %add3A_35, %rem3A : i32
      %dma_start3A_37 = arith.constant 0 : i32
      %dma_start3A_38 = tpu.memref_slice %arg10[%rem3A_36, %dma_start3A_37] : memref<200x50xi32, #tpu.memory_space<vmem>> -> memref<1x50xi32, #tpu.memory_space<vmem>>
      %dma_start3A_39 = tpu.memref_squeeze %dma_start3A_38 : memref<1x50xi32, #tpu.memory_space<vmem>> -> memref<50xi32, #tpu.memory_space<vmem>>
      %dma_start3A_40 = arith.constant 0 : i32
      %dma_start3A_41 = arith.constant 0 : i32
      %dma_start3A_42 = tpu.memref_slice %arg2[%dma_start3A_40, %dma_start3A_41] : memref<10000x128xf32, #tpu.memory_space<hbm>> -> memref<10000x128xf32, #tpu.memory_space<hbm>>
      tpu.enqueue_indirect_dma source(%dma_start3A_42 : memref<10000x128xf32, #tpu.memory_space<hbm>>) target(%arg13 : memref<50x128xf32, #tpu.memory_space<vmem>>) offsets(%dma_start3A_39 : memref<50xi32, #tpu.memory_space<vmem>>) semaphore(%arg18 : memref<!tpu.dma_semaphore, #tpu.memory_space<semaphore_mem>>)
      %dma_wait3A_43 = arith.constant 0 : i32
      %dma_wait3A_44 = arith.constant 0 : i32
      %dma_wait3A_45 = tpu.memref_slice %arg10[%dma_wait3A_43, %dma_wait3A_44] : memref<200x50xi32, #tpu.memory_space<vmem>> -> memref<1x50xi32, #tpu.memory_space<vmem>>
      %dma_wait3A_46 = tpu.memref_squeeze %dma_wait3A_45 : memref<1x50xi32, #tpu.memory_space<vmem>> -> memref<50xi32, #tpu.memory_space<vmem>>
      %dma_wait3A_47 = arith.constant 0 : i32
      %dma_wait3A_48 = arith.constant 0 : i32
      %dma_wait3A_49 = tpu.memref_slice %arg2[%dma_wait3A_47, %dma_wait3A_48] : memref<10000x128xf32, #tpu.memory_space<hbm>> -> memref<10000x128xf32, #tpu.memory_space<hbm>>
      tpu.wait_indirect_dma semaphore(%arg17 : memref<!tpu.dma_semaphore, #tpu.memory_space<semaphore_mem>>) src(%dma_wait3A_49 : memref<10000x128xf32, #tpu.memory_space<hbm>>) dst(%arg12 : memref<50x128xf32, #tpu.memory_space<vmem>>)
      "tpu.region"() ({
        %run_scoped3A = tpu.sem_alloc : memref<!tpu.dma_semaphore, #tpu.memory_space<semaphore_mem>>
        %dma_start3A_71 = arith.constant 0 : i32
        %dma_start3A_72 = tpu.memref_slice %arg11[%mul3A_34, %dma_start3A_71] : memref<200x50xi32, #tpu.memory_space<vmem>> -> memref<1x50xi32, #tpu.memory_space<vmem>>
        %dma_start3A_73 = tpu.memref_squeeze %dma_start3A_72 : memref<1x50xi32, #tpu.memory_space<vmem>> -> memref<50xi32, #tpu.memory_space<vmem>>
        %dma_start3A_74 = arith.constant 0 : i32
        %dma_start3A_75 = arith.constant 0 : i32
        %dma_start3A_76 = tpu.memref_slice %arg15[%dma_start3A_74, %dma_start3A_75] : memref<10240x128xf32, #tpu.memory_space<vmem_shared>> -> memref<10240x128xf32, #tpu.memory_space<vmem_shared>>
        tpu.enqueue_indirect_dma source(%arg12 : memref<50x128xf32, #tpu.memory_space<vmem>>) target(%dma_start3A_76 : memref<10240x128xf32, #tpu.memory_space<vmem_shared>>) offsets(%dma_start3A_73 : memref<50xi32, #tpu.memory_space<vmem>>) semaphore(%run_scoped3A : memref<!tpu.dma_semaphore, #tpu.memory_space<semaphore_mem>>) {add = true}
        %dma_wait3A_77 = arith.constant 0 : i32
        %dma_wait3A_78 = tpu.memref_slice %arg11[%mul3A_34, %dma_wait3A_77] : memref<200x50xi32, #tpu.memory_space<vmem>> -> memref<1x50xi32, #tpu.memory_space<vmem>>
        %dma_wait3A_79 = tpu.memref_squeeze %dma_wait3A_78 : memref<1x50xi32, #tpu.memory_space<vmem>> -> memref<50xi32, #tpu.memory_space<vmem>>
        %dma_wait3A_80 = arith.constant 0 : i32
        %dma_wait3A_81 = arith.constant 0 : i32
        %dma_wait3A_82 = tpu.memref_slice %arg15[%dma_wait3A_80, %dma_wait3A_81] : memref<10240x128xf32, #tpu.memory_space<vmem_shared>> -> memref<10240x128xf32, #tpu.memory_space<vmem_shared>>
        tpu.wait_indirect_dma semaphore(%run_scoped3A : memref<!tpu.dma_semaphore, #tpu.memory_space<semaphore_mem>>) src(%arg12 : memref<50x128xf32, #tpu.memory_space<vmem>>) dst(%dma_wait3A_82 : memref<10240x128xf32, #tpu.memory_space<vmem_shared>>)
        tpu.yield
      }) : () -> ()
      "tpu.region"() ({
        %run_scoped3A = tpu.sem_alloc : memref<!tpu.dma_semaphore, #tpu.memory_space<semaphore_mem>>
        %dma_start3A_71 = arith.constant 0 : i32
        %dma_start3A_72 = tpu.memref_slice %arg11[%mul3A_34, %dma_start3A_71] : memref<200x50xi32, #tpu.memory_space<vmem>> -> memref<1x50xi32, #tpu.memory_space<vmem>>
        %dma_start3A_73 = tpu.memref_squeeze %dma_start3A_72 : memref<1x50xi32, #tpu.memory_space<vmem>> -> memref<50xi32, #tpu.memory_space<vmem>>
        %dma_start3A_74 = arith.constant 0 : i32
        %dma_start3A_75 = arith.constant 0 : i32
        %dma_start3A_76 = tpu.memref_slice %arg16[%dma_start3A_74, %dma_start3A_75] : memref<10240x16xf32, #tpu.memory_space<vmem_shared>> -> memref<10240x16xf32, #tpu.memory_space<vmem_shared>>
        tpu.enqueue_indirect_dma source(%arg14 : memref<50x16xf32, #tpu.memory_space<vmem>>) target(%dma_start3A_76 : memref<10240x16xf32, #tpu.memory_space<vmem_shared>>) offsets(%dma_start3A_73 : memref<50xi32, #tpu.memory_space<vmem>>) semaphore(%run_scoped3A : memref<!tpu.dma_semaphore, #tpu.memory_space<semaphore_mem>>) {add = true}
        %dma_wait3A_77 = arith.constant 0 : i32
        %dma_wait3A_78 = tpu.memref_slice %arg11[%mul3A_34, %dma_wait3A_77] : memref<200x50xi32, #tpu.memory_space<vmem>> -> memref<1x50xi32, #tpu.memory_space<vmem>>
        %dma_wait3A_79 = tpu.memref_squeeze %dma_wait3A_78 : memref<1x50xi32, #tpu.memory_space<vmem>> -> memref<50xi32, #tpu.memory_space<vmem>>
        %dma_wait3A_80 = arith.constant 0 : i32
        %dma_wait3A_81 = arith.constant 0 : i32
        %dma_wait3A_82 = tpu.memref_slice %arg16[%dma_wait3A_80, %dma_wait3A_81] : memref<10240x16xf32, #tpu.memory_space<vmem_shared>> -> memref<10240x16xf32, #tpu.memory_space<vmem_shared>>
        tpu.wait_indirect_dma semaphore(%run_scoped3A : memref<!tpu.dma_semaphore, #tpu.memory_space<semaphore_mem>>) src(%arg14 : memref<50x16xf32, #tpu.memory_space<vmem>>) dst(%dma_wait3A_82 : memref<10240x16xf32, #tpu.memory_space<vmem_shared>>)
        tpu.yield
      }) : () -> ()
      %add3A_50 = arith.constant 2 : i32
      %add3A_51 = arith.addi %mul3A_34, %add3A_50 : i32
      %rem3A_52 = arith.constant 200 : i32
      %rem3A_53 = arith.remsi %add3A_51, %rem3A_52 : i32
      %dma_start3A_54 = arith.constant 0 : i32
      %dma_start3A_55 = tpu.memref_slice %arg10[%rem3A_53, %dma_start3A_54] : memref<200x50xi32, #tpu.memory_space<vmem>> -> memref<1x50xi32, #tpu.memory_space<vmem>>
      %dma_start3A_56 = tpu.memref_squeeze %dma_start3A_55 : memref<1x50xi32, #tpu.memory_space<vmem>> -> memref<50xi32, #tpu.memory_space<vmem>>
      %dma_start3A_57 = arith.constant 0 : i32
      %dma_start3A_58 = arith.constant 0 : i32
      %dma_start3A_59 = tpu.memref_slice %arg2[%dma_start3A_57, %dma_start3A_58] : memref<10000x128xf32, #tpu.memory_space<hbm>> -> memref<10000x128xf32, #tpu.memory_space<hbm>>
      tpu.enqueue_indirect_dma source(%dma_start3A_59 : memref<10000x128xf32, #tpu.memory_space<hbm>>) target(%arg12 : memref<50x128xf32, #tpu.memory_space<vmem>>) offsets(%dma_start3A_56 : memref<50xi32, #tpu.memory_space<vmem>>) semaphore(%arg17 : memref<!tpu.dma_semaphore, #tpu.memory_space<semaphore_mem>>)
      %dma_wait3A_60 = arith.constant 0 : i32
      %dma_wait3A_61 = arith.constant 0 : i32
      %dma_wait3A_62 = tpu.memref_slice %arg10[%dma_wait3A_60, %dma_wait3A_61] : memref<200x50xi32, #tpu.memory_space<vmem>> -> memref<1x50xi32, #tpu.memory_space<vmem>>
      %dma_wait3A_63 = tpu.memref_squeeze %dma_wait3A_62 : memref<1x50xi32, #tpu.memory_space<vmem>> -> memref<50xi32, #tpu.memory_space<vmem>>
      %dma_wait3A_64 = arith.constant 0 : i32
      %dma_wait3A_65 = arith.constant 0 : i32
      %dma_wait3A_66 = tpu.memref_slice %arg2[%dma_wait3A_64, %dma_wait3A_65] : memref<10000x128xf32, #tpu.memory_space<hbm>> -> memref<10000x128xf32, #tpu.memory_space<hbm>>
      tpu.wait_indirect_dma semaphore(%arg18 : memref<!tpu.dma_semaphore, #tpu.memory_space<semaphore_mem>>) src(%dma_wait3A_66 : memref<10000x128xf32, #tpu.memory_space<hbm>>) dst(%arg13 : memref<50x128xf32, #tpu.memory_space<vmem>>)
      %add3A_67 = arith.constant 1 : i32
      %add3A_68 = arith.addi %mul3A_34, %add3A_67 : i32
      "tpu.region"() ({
        %run_scoped3A = tpu.sem_alloc : memref<!tpu.dma_semaphore, #tpu.memory_space<semaphore_mem>>
        %dma_start3A_71 = arith.constant 0 : i32
        %dma_start3A_72 = tpu.memref_slice %arg11[%add3A_68, %dma_start3A_71] : memref<200x50xi32, #tpu.memory_space<vmem>> -> memref<1x50xi32, #tpu.memory_space<vmem>>
        %dma_start3A_73 = tpu.memref_squeeze %dma_start3A_72 : memref<1x50xi32, #tpu.memory_space<vmem>> -> memref<50xi32, #tpu.memory_space<vmem>>
        %dma_start3A_74 = arith.constant 0 : i32
        %dma_start3A_75 = arith.constant 0 : i32
        %dma_start3A_76 = tpu.memref_slice %arg15[%dma_start3A_74, %dma_start3A_75] : memref<10240x128xf32, #tpu.memory_space<vmem_shared>> -> memref<10240x128xf32, #tpu.memory_space<vmem_shared>>
        tpu.enqueue_indirect_dma source(%arg13 : memref<50x128xf32, #tpu.memory_space<vmem>>) target(%dma_start3A_76 : memref<10240x128xf32, #tpu.memory_space<vmem_shared>>) offsets(%dma_start3A_73 : memref<50xi32, #tpu.memory_space<vmem>>) semaphore(%run_scoped3A : memref<!tpu.dma_semaphore, #tpu.memory_space<semaphore_mem>>) {add = true}
        %dma_wait3A_77 = arith.constant 0 : i32
        %dma_wait3A_78 = tpu.memref_slice %arg11[%add3A_68, %dma_wait3A_77] : memref<200x50xi32, #tpu.memory_space<vmem>> -> memref<1x50xi32, #tpu.memory_space<vmem>>
        %dma_wait3A_79 = tpu.memref_squeeze %dma_wait3A_78 : memref<1x50xi32, #tpu.memory_space<vmem>> -> memref<50xi32, #tpu.memory_space<vmem>>
        %dma_wait3A_80 = arith.constant 0 : i32
        %dma_wait3A_81 = arith.constant 0 : i32
        %dma_wait3A_82 = tpu.memref_slice %arg15[%dma_wait3A_80, %dma_wait3A_81] : memref<10240x128xf32, #tpu.memory_space<vmem_shared>> -> memref<10240x128xf32, #tpu.memory_space<vmem_shared>>
        tpu.wait_indirect_dma semaphore(%run_scoped3A : memref<!tpu.dma_semaphore, #tpu.memory_space<semaphore_mem>>) src(%arg13 : memref<50x128xf32, #tpu.memory_space<vmem>>) dst(%dma_wait3A_82 : memref<10240x128xf32, #tpu.memory_space<vmem_shared>>)
        tpu.yield
      }) : () -> ()
      %add3A_69 = arith.constant 1 : i32
      %add3A_70 = arith.addi %mul3A_34, %add3A_69 : i32
      "tpu.region"() ({
        %run_scoped3A = tpu.sem_alloc : memref<!tpu.dma_semaphore, #tpu.memory_space<semaphore_mem>>
        %dma_start3A_71 = arith.constant 0 : i32
        %dma_start3A_72 = tpu.memref_slice %arg11[%add3A_70, %dma_start3A_71] : memref<200x50xi32, #tpu.memory_space<vmem>> -> memref<1x50xi32, #tpu.memory_space<vmem>>
        %dma_start3A_73 = tpu.memref_squeeze %dma_start3A_72 : memref<1x50xi32, #tpu.memory_space<vmem>> -> memref<50xi32, #tpu.memory_space<vmem>>
        %dma_start3A_74 = arith.constant 0 : i32
        %dma_start3A_75 = arith.constant 0 : i32
        %dma_start3A_76 = tpu.memref_slice %arg16[%dma_start3A_74, %dma_start3A_75] : memref<10240x16xf32, #tpu.memory_space<vmem_shared>> -> memref<10240x16xf32, #tpu.memory_space<vmem_shared>>
        tpu.enqueue_indirect_dma source(%arg14 : memref<50x16xf32, #tpu.memory_space<vmem>>) target(%dma_start3A_76 : memref<10240x16xf32, #tpu.memory_space<vmem_shared>>) offsets(%dma_start3A_73 : memref<50xi32, #tpu.memory_space<vmem>>) semaphore(%run_scoped3A : memref<!tpu.dma_semaphore, #tpu.memory_space<semaphore_mem>>) {add = true}
        %dma_wait3A_77 = arith.constant 0 : i32
        %dma_wait3A_78 = tpu.memref_slice %arg11[%add3A_70, %dma_wait3A_77] : memref<200x50xi32, #tpu.memory_space<vmem>> -> memref<1x50xi32, #tpu.memory_space<vmem>>
        %dma_wait3A_79 = tpu.memref_squeeze %dma_wait3A_78 : memref<1x50xi32, #tpu.memory_space<vmem>> -> memref<50xi32, #tpu.memory_space<vmem>>
        %dma_wait3A_80 = arith.constant 0 : i32
        %dma_wait3A_81 = arith.constant 0 : i32
        %dma_wait3A_82 = tpu.memref_slice %arg16[%dma_wait3A_80, %dma_wait3A_81] : memref<10240x16xf32, #tpu.memory_space<vmem_shared>> -> memref<10240x16xf32, #tpu.memory_space<vmem_shared>>
        tpu.wait_indirect_dma semaphore(%run_scoped3A : memref<!tpu.dma_semaphore, #tpu.memory_space<semaphore_mem>>) src(%arg14 : memref<50x16xf32, #tpu.memory_space<vmem>>) dst(%dma_wait3A_82 : memref<10240x16xf32, #tpu.memory_space<vmem_shared>>)
        tpu.yield
      }) : () -> ()
    }
    %scan3A_16 = arith.constant 100 : i32
    %dma_wait3A = arith.constant 0 : i32
    %dma_wait3A_17 = arith.constant 0 : i32
    %dma_wait3A_18 = tpu.memref_slice %arg10[%dma_wait3A, %dma_wait3A_17] : memref<200x50xi32, #tpu.memory_space<vmem>> -> memref<1x50xi32, #tpu.memory_space<vmem>>
    %dma_wait3A_19 = tpu.memref_squeeze %dma_wait3A_18 : memref<1x50xi32, #tpu.memory_space<vmem>> -> memref<50xi32, #tpu.memory_space<vmem>>
    %dma_wait3A_20 = arith.constant 0 : i32
    %dma_wait3A_21 = arith.constant 0 : i32
    %dma_wait3A_22 = tpu.memref_slice %arg2[%dma_wait3A_20, %dma_wait3A_21] : memref<10000x128xf32, #tpu.memory_space<hbm>> -> memref<10000x128xf32, #tpu.memory_space<hbm>>
    tpu.wait_indirect_dma semaphore(%arg17 : memref<!tpu.dma_semaphore, #tpu.memory_space<semaphore_mem>>) src(%dma_wait3A_22 : memref<10000x128xf32, #tpu.memory_space<hbm>>) dst(%arg12 : memref<50x128xf32, #tpu.memory_space<vmem>>)
    %barrier3A_23 = arith.constant 0 : index
    tpu.barrier barrier_id(%barrier3A_23)
    %mul3A_24 = arith.constant 640 : i32
    %mul3A_25 = arith.muli %arg1, %mul3A_24 : i32
    %mul3A_26 = arith.constant 640 : i32
    %mul3A_27 = arith.muli %arg1, %mul3A_26 : i32
    "tpu.region"() ({
      %run_scoped3A = tpu.sem_alloc : memref<!tpu.dma_semaphore, #tpu.memory_space<semaphore_mem>>
      %dma_start3A_32 = arith.constant 0 : i32
      %dma_start3A_33 = arith.constant 0 : i32
      %dma_start3A_34 = tpu.memref_slice %arg8[%arg0, %dma_start3A_32, %dma_start3A_33] : memref<2x10240x128xf32, #tpu.memory_space<hbm>> -> memref<1x10240x128xf32, #tpu.memory_space<hbm>>
      %dma_start3A_35 = tpu.memref_squeeze %dma_start3A_34 : memref<1x10240x128xf32, #tpu.memory_space<hbm>> -> memref<10240x128xf32, #tpu.memory_space<hbm>>
      %dma_start3A_36 = arith.constant 0 : i32
      %dma_start3A_37 = tpu.memref_slice %dma_start3A_35[%mul3A_27, %dma_start3A_36] : memref<10240x128xf32, #tpu.memory_space<hbm>> -> memref<640x128xf32, #tpu.memory_space<hbm>>
      %dma_start3A_38 = arith.constant 0 : i32
      %dma_start3A_39 = tpu.memref_slice %arg15[%mul3A_25, %dma_start3A_38] : memref<10240x128xf32, #tpu.memory_space<vmem_shared>> -> memref<640x128xf32, #tpu.memory_space<vmem_shared>>
      tpu.enqueue_dma source(%dma_start3A_39 : memref<640x128xf32, #tpu.memory_space<vmem_shared>>) target(%dma_start3A_37 : memref<640x128xf32, #tpu.memory_space<hbm>>) target_semaphore(%run_scoped3A : memref<!tpu.dma_semaphore, #tpu.memory_space<semaphore_mem>>)
      %dma_wait3A_40 = arith.constant 0 : i32
      %dma_wait3A_41 = arith.constant 0 : i32
      %dma_wait3A_42 = tpu.memref_slice %arg8[%arg0, %dma_wait3A_40, %dma_wait3A_41] : memref<2x10240x128xf32, #tpu.memory_space<hbm>> -> memref<1x10240x128xf32, #tpu.memory_space<hbm>>
      %dma_wait3A_43 = tpu.memref_squeeze %dma_wait3A_42 : memref<1x10240x128xf32, #tpu.memory_space<hbm>> -> memref<10240x128xf32, #tpu.memory_space<hbm>>
      %dma_wait3A_44 = arith.constant 0 : i32
      %dma_wait3A_45 = tpu.memref_slice %dma_wait3A_43[%mul3A_27, %dma_wait3A_44] : memref<10240x128xf32, #tpu.memory_space<hbm>> -> memref<640x128xf32, #tpu.memory_space<hbm>>
      %dma_wait3A_46 = arith.constant 0 : i32
      %dma_wait3A_47 = tpu.memref_slice %arg15[%mul3A_25, %dma_wait3A_46] : memref<10240x128xf32, #tpu.memory_space<vmem_shared>> -> memref<640x128xf32, #tpu.memory_space<vmem_shared>>
      tpu.wait_dma2 semaphore(%run_scoped3A : memref<!tpu.dma_semaphore, #tpu.memory_space<semaphore_mem>>) src(%dma_wait3A_47 : memref<640x128xf32, #tpu.memory_space<vmem_shared>>) dst(%dma_wait3A_45 : memref<640x128xf32, #tpu.memory_space<hbm>>)
      tpu.yield
    }) : () -> ()
    %mul3A_28 = arith.constant 640 : i32
    %mul3A_29 = arith.muli %arg1, %mul3A_28 : i32
    %mul3A_30 = arith.constant 640 : i32
    %mul3A_31 = arith.muli %arg1, %mul3A_30 : i32
    "tpu.region"() ({
      %run_scoped3A = tpu.sem_alloc : memref<!tpu.dma_semaphore, #tpu.memory_space<semaphore_mem>>
      %dma_start3A_32 = arith.constant 0 : i32
      %dma_start3A_33 = arith.constant 0 : i32
      %dma_start3A_34 = tpu.memref_slice %arg9[%arg0, %dma_start3A_32, %dma_start3A_33] : memref<2x10240x16xf32, #tpu.memory_space<hbm>> -> memref<1x10240x16xf32, #tpu.memory_space<hbm>>
      %dma_start3A_35 = tpu.memref_squeeze %dma_start3A_34 : memref<1x10240x16xf32, #tpu.memory_space<hbm>> -> memref<10240x16xf32, #tpu.memory_space<hbm>>
      %dma_start3A_36 = arith.constant 0 : i32
      %dma_start3A_37 = tpu.memref_slice %dma_start3A_35[%mul3A_31, %dma_start3A_36] : memref<10240x16xf32, #tpu.memory_space<hbm>> -> memref<640x16xf32, #tpu.memory_space<hbm>>
      %dma_start3A_38 = arith.constant 0 : i32
      %dma_start3A_39 = tpu.memref_slice %arg16[%mul3A_29, %dma_start3A_38] : memref<10240x16xf32, #tpu.memory_space<vmem_shared>> -> memref<640x16xf32, #tpu.memory_space<vmem_shared>>
      tpu.enqueue_dma source(%dma_start3A_39 : memref<640x16xf32, #tpu.memory_space<vmem_shared>>) target(%dma_start3A_37 : memref<640x16xf32, #tpu.memory_space<hbm>>) target_semaphore(%run_scoped3A : memref<!tpu.dma_semaphore, #tpu.memory_space<semaphore_mem>>)
      %dma_wait3A_40 = arith.constant 0 : i32
      %dma_wait3A_41 = arith.constant 0 : i32
      %dma_wait3A_42 = tpu.memref_slice %arg9[%arg0, %dma_wait3A_40, %dma_wait3A_41] : memref<2x10240x16xf32, #tpu.memory_space<hbm>> -> memref<1x10240x16xf32, #tpu.memory_space<hbm>>
      %dma_wait3A_43 = tpu.memref_squeeze %dma_wait3A_42 : memref<1x10240x16xf32, #tpu.memory_space<hbm>> -> memref<10240x16xf32, #tpu.memory_space<hbm>>
      %dma_wait3A_44 = arith.constant 0 : i32
      %dma_wait3A_45 = tpu.memref_slice %dma_wait3A_43[%mul3A_31, %dma_wait3A_44] : memref<10240x16xf32, #tpu.memory_space<hbm>> -> memref<640x16xf32, #tpu.memory_space<hbm>>
      %dma_wait3A_46 = arith.constant 0 : i32
      %dma_wait3A_47 = tpu.memref_slice %arg16[%mul3A_29, %dma_wait3A_46] : memref<10240x16xf32, #tpu.memory_space<vmem_shared>> -> memref<640x16xf32, #tpu.memory_space<vmem_shared>>
      tpu.wait_dma2 semaphore(%run_scoped3A : memref<!tpu.dma_semaphore, #tpu.memory_space<semaphore_mem>>) src(%dma_wait3A_47 : memref<640x16xf32, #tpu.memory_space<vmem_shared>>) dst(%dma_wait3A_45 : memref<640x16xf32, #tpu.memory_space<hbm>>)
      tpu.yield
    }) : () -> ()
    return
  }
}

module attributes {stable_mosaic.version = 14 : i64} {
  func.func @_tc_combine_body(%arg0: i32, %arg1: memref<2x1000x128xf32, #tpu.memory_space<vmem>>, %arg2: memref<2x1000x16xf32, #tpu.memory_space<vmem>>, %arg3: memref<1000x128xf32, #tpu.memory_space<vmem>>, %arg4: memref<128x128xf32, #tpu.memory_space<vmem>>, %arg5: memref<128x128xf32, #tpu.memory_space<vmem>>, %arg6: memref<1x128xf32, #tpu.memory_space<vmem>>, %arg7: memref<1000x128xf32, #tpu.memory_space<vmem>>) attributes {dimension_semantics = [#tpu.dimension_semantics<arbitrary>], iteration_bounds = array<i64: 10>, scalar_prefetch = 0 : i64, scratch_operands = 0 : i64, tpu.core_type = #tpu.core_type<tc>, window_params = [{transform_indices = @transform_0, window_bounds = array<i64: 2, 1000, 128>}, {transform_indices = @transform_1, window_bounds = array<i64: 2, 1000, 16>}, {transform_indices = @transform_2, window_bounds = array<i64: 1000, 128>}, {pipeline_mode = #tpu.pipeline_mode<synchronous>, transform_indices = @transform_3, window_bounds = array<i64: 128, 128>}, {pipeline_mode = #tpu.pipeline_mode<synchronous>, transform_indices = @transform_4, window_bounds = array<i64: 128, 128>}, {pipeline_mode = #tpu.pipeline_mode<synchronous>, transform_indices = @transform_5, window_bounds = array<i64: 1, 128>}, {transform_indices = @transform_6, window_bounds = array<i64: 1000, 128>}]} {
    %get3A = arith.constant 0 : index
    %get3A_0 = arith.constant 0 : index
    %get3A_1 = arith.constant 0 : index
    %get3A_2 = vector.load %arg1[%get3A, %get3A_0, %get3A_1] : memref<2x1000x128xf32, #tpu.memory_space<vmem>>, vector<1x1000x128xf32>
    %get3A_3 = vector.shape_cast %get3A_2 : vector<1x1000x128xf32> to vector<1000x128xf32>
    %get3A_4 = arith.constant 1 : index
    %get3A_5 = arith.constant 0 : index
    %get3A_6 = arith.constant 0 : index
    %get3A_7 = vector.load %arg1[%get3A_4, %get3A_5, %get3A_6] : memref<2x1000x128xf32, #tpu.memory_space<vmem>>, vector<1x1000x128xf32>
    %get3A_8 = vector.shape_cast %get3A_7 : vector<1x1000x128xf32> to vector<1000x128xf32>
    %add3A = arith.addf %get3A_3, %get3A_8 : vector<1000x128xf32>
    %get3A_9 = arith.constant 0 : index
    %get3A_10 = arith.constant 0 : index
    %get3A_11 = arith.constant 0 : index
    %get3A_12 = vector.load %arg2[%get3A_9, %get3A_10, %get3A_11] : memref<2x1000x16xf32, #tpu.memory_space<vmem>>, vector<1x1000x16xf32>
    %get3A_13 = vector.shape_cast %get3A_12 : vector<1x1000x16xf32> to vector<1000x16xf32>
    %get3A_14 = arith.constant 1 : index
    %get3A_15 = arith.constant 0 : index
    %get3A_16 = arith.constant 0 : index
    %get3A_17 = vector.load %arg2[%get3A_14, %get3A_15, %get3A_16] : memref<2x1000x16xf32, #tpu.memory_space<vmem>>, vector<1x1000x16xf32>
    %get3A_18 = vector.shape_cast %get3A_17 : vector<1x1000x16xf32> to vector<1000x16xf32>
    %add3A_19 = arith.addf %get3A_13, %get3A_18 : vector<1000x16xf32>
    %slice3A = vector.extract_strided_slice %add3A_19 {offsets = [0, 0], sizes = [1000, 1], strides = [1, 1]} : vector<1000x16xf32> to vector<1000x1xf32>
    %max3A = arith.constant 1.000000e+00 : f32
    %max3A_20 = vector.broadcast %max3A : f32 to vector<1000x1xf32>
    %max3A_21 = arith.maximumf %slice3A, %max3A_20 : vector<1000x1xf32>
    %div3A = arith.constant 1.000000e+00 : f32
    %div3A_22 = vector.broadcast %div3A : f32 to vector<1000x1xf32>
    %div3A_23 = arith.divf %div3A_22, %max3A_21 : vector<1000x1xf32>
    %mul3A = vector.broadcast %div3A_23 : vector<1000x1xf32> to vector<1000x128xf32>
    %mul3A_24 = arith.mulf %add3A, %mul3A : vector<1000x128xf32>
    %get3A_25 = arith.constant 0 : index
    %get3A_26 = arith.constant 0 : index
    %get3A_27 = vector.load %arg4[%get3A_25, %get3A_26] : memref<128x128xf32, #tpu.memory_space<vmem>>, vector<128x128xf32>
    %dot_general3A = arith.constant dense<0.000000e+00> : vector<1000x128xf32>
    %dot_general3A_28 = tpu.matmul %mul3A_24, %get3A_27, %dot_general3A {dimension_numbers = #tpu.dot_dimension_numbers<[1], [1], [0], [0], [0, 0, 1, 0], [], []>, transpose_lhs_hint = false} : vector<1000x128xf32>, vector<128x128xf32>, vector<1000x128xf32> -> vector<1000x128xf32>
    %get3A_29 = arith.constant 0 : index
    %get3A_30 = arith.constant 0 : index
    %get3A_31 = vector.load %arg3[%get3A_29, %get3A_30] : memref<1000x128xf32, #tpu.memory_space<vmem>>, vector<1000x128xf32>
    %get3A_32 = arith.constant 0 : index
    %get3A_33 = arith.constant 0 : index
    %get3A_34 = vector.load %arg5[%get3A_32, %get3A_33] : memref<128x128xf32, #tpu.memory_space<vmem>>, vector<128x128xf32>
    %dot_general3A_35 = arith.constant dense<0.000000e+00> : vector<1000x128xf32>
    %dot_general3A_36 = tpu.matmul %get3A_31, %get3A_34, %dot_general3A_35 {dimension_numbers = #tpu.dot_dimension_numbers<[1], [1], [0], [0], [0, 0, 1, 0], [], []>, transpose_lhs_hint = false} : vector<1000x128xf32>, vector<128x128xf32>, vector<1000x128xf32> -> vector<1000x128xf32>
    %add3A_37 = arith.addf %dot_general3A_28, %dot_general3A_36 : vector<1000x128xf32>
    %get3A_38 = arith.constant 0 : index
    %get3A_39 = arith.constant 0 : index
    %get3A_40 = vector.load %arg6[%get3A_38, %get3A_39] : memref<1x128xf32, #tpu.memory_space<vmem>>, vector<1x128xf32>
    %add3A_41 = vector.broadcast %get3A_40 : vector<1x128xf32> to vector<1000x128xf32>
    %add3A_42 = arith.addf %add3A_37, %add3A_41 : vector<1000x128xf32>
    %swap3A = arith.constant 0 : index
    %swap3A_43 = arith.constant 0 : index
    %swap3A_44 = vector.load %arg7[%swap3A, %swap3A_43] : memref<1000x128xf32, #tpu.memory_space<vmem>>, vector<1000x128xf32>
    tpu.vector_store %arg7[%swap3A, %swap3A_43], %add3A_42 {strides = array<i32>} : memref<1000x128xf32, #tpu.memory_space<vmem>>, vector<1000x128xf32>,
    return
  }
  func.func @transform_0(%arg0: i32) -> (i32, i32, i32) {
    %c0_i32 = arith.constant 0 : i32
    %c0_i32_0 = arith.constant 0 : i32
    %c0_i32_1 = arith.constant 0 : i32
    return %c0_i32, %arg0, %c0_i32_0 : i32, i32, i32
  }
  func.func @transform_1(%arg0: i32) -> (i32, i32, i32) {
    %c0_i32 = arith.constant 0 : i32
    %c0_i32_0 = arith.constant 0 : i32
    %c0_i32_1 = arith.constant 0 : i32
    return %c0_i32, %arg0, %c0_i32_0 : i32, i32, i32
  }
  func.func @transform_2(%arg0: i32) -> (i32, i32) {
    %c0_i32 = arith.constant 0 : i32
    %c0_i32_0 = arith.constant 0 : i32
    return %arg0, %c0_i32 : i32, i32
  }
  func.func @transform_3(%arg0: i32) -> (i32, i32) {
    %c0_i32 = arith.constant 0 : i32
    %c0_i32_0 = arith.constant 0 : i32
    %c0_i32_1 = arith.constant 0 : i32
    return %c0_i32, %c0_i32_0 : i32, i32
  }
  func.func @transform_4(%arg0: i32) -> (i32, i32) {
    %c0_i32 = arith.constant 0 : i32
    %c0_i32_0 = arith.constant 0 : i32
    %c0_i32_1 = arith.constant 0 : i32
    return %c0_i32, %c0_i32_0 : i32, i32
  }
  func.func @transform_5(%arg0: i32) -> (i32, i32) {
    %c0_i32 = arith.constant 0 : i32
    %c0_i32_0 = arith.constant 0 : i32
    %c0_i32_1 = arith.constant 0 : i32
    return %c0_i32, %c0_i32_0 : i32, i32
  }
  func.func @transform_6(%arg0: i32) -> (i32, i32) {
    %c0_i32 = arith.constant 0 : i32
    %c0_i32_0 = arith.constant 0 : i32
    return %arg0, %c0_i32 : i32, i32
  }
}

</mosaic_0001>

<sc_bundles>
// kernel: kernel.4.cloned.1.call-start
scs
__scs_entry_jumppad:
0x0: {  	(pc) =	sbr.rel $0x88, $3  }
0x1: {  	(tag) =	ssettag $0x0;
	lr =	simm.s32 $0x1  }
0x2: {  	[smem:$0x3F9C] =	sst lr;
	_ =	strace $0xD0000000  }
0x3: {  	_ = 	snop  }
0x4: {  	_ = 	snop  }
0x5: {  	_ = 	snop  }
0x6: {  	_ = 	snop  }
0x7: {  	_ = 	snop  }
__scs_overlays_trampoline_lowered:
0x8: {  	[smem:$0x3FAB] =	sst s0  }
0x9: {  	[smem:$0x3FAC] =	sst s1  }
0xa: {  	[smem:$0x3FAD] =	sst s2  }
0xb: {  	[smem:$0x3FAE] =	sst s3  }
0xc: {  	[smem:$0x3FAF] =	sst s4  }
0xd: {  	[smem:$0x3FB0] =	sst s5  }
0xe: {  	[smem:$0x3FB1] =	sst s6  }
0xf: {  	[smem:$0x3FB2] =	sst s7  }
0x10: {  	[smem:$0x3FB3] =	sst s8  }
0x11: {  	[smem:$0x3FB4] =	sst s9;
	s0 =	simm.s32 @!p0 $0x0  }
0x12: {  	s1 =	sld [smem:$0x3F9A];
	s0 =	simm.s32 @p0 $0x1  }
0x13: {  	[smem:$0x3FB5] =	sst s0;
	s0 =	simm.s32 @!p1 $0x0  }
0x14: {  	s2 =	sld [smem:$0x3F99];
	s0 =	simm.s32 @p1 $0x1  }
0x15: {  	[smem:$0x3FB6] =	sst s0;
	s0 =	simm.s32 @!p2 $0x0  }
0x16: {  	s3 =	sld [smem:$0x3FDB];
	s0 =	simm.s32 @p2 $0x1  }
0x17: {  	s4 =	simm.s32 $0x1BF5;
	[smem:$0x3FB8] =	sst s0  }
0x18: {  	s0 =	sld [smem:$0x3F9B];
	_ =	swait.ge [sflag:s4], $0x0  }
0x19: {  	s7 =	sld [smem:$0x3F9C]  }
0x1a: {  	s8 =	sadd.s32 $0xFFFFE003, lr  }
0x1b: {  	s9 =	sadd.s32 $0xFFFFFEF7, lr;
	s5 =	simm.s32 $0xFFFFFFFF;
	p2 =	slt.u32 s8, $0xFFFFF086  }
0x1c: {  	p1 =	slt.u32 s9, $0xF7A;
	s5 =	simm.s32 @!p2 $0x0  }
0x1d: {  	s5 =	simm.s32 @p1 $0x1;
	p0 =	seq.s32 s7, s2  }
0x1e: {  	s7 =	smul.u32 @!p0 $0xF7A, s2;
	p2 =	seq.s32 @!p0 s5, $0x0  }
0x1f: {  	s9 =	smul.u32 $0xF7A, s1;
	s8 =	simm.s32 @!p0 $0x1BF5;
	p2 =	por !p2, p0  }
0x20: {  	[sflag:s8] =	ssyncset.s32 @!p0 $0xFFFFF086;
	s6 =	sadd.s32 @!p0 s3, s7;
	s7 =	simm.s32 @!p0 $0x108  }
0x21: {  	s3 =	sadd.s32 s3, s9;
	s6 =	sadd.s32 @!p0 $0x88, s6;
	s7 =	simm.s32 @p2 $0x1082  }
0x22: {  	[simem:s7], [sflag:s8] =	dma.local @!p0 [hbm:s6], $0xF7A  }
0x23: {  	s9 =	sor.u32 $0xD0000000, s2;
	s6 =	simm.s32 $0x108;
	_ =	swait.ge @!p0 [sflag:s8], $0x0  }
0x24: {  	s3 =	sadd.s32 $0x88, s3;
	s6 =	simm.s32 @!p1 $0x1082;
	[sflag:s4] =	ssyncset.s32 $0xFFFFF086  }
0x25: {  	[simem:s6], [sflag:s4] =	dma.local [hbm:s3], $0xF7A  }
0x26: {  	[smem:$0x3F9C] =	sst s1;
	(tag) =	ssettag s2;
	_ =	strace s9  }
0x27: {  	s1 =	sld [smem:$0x3FAC]  }
0x28: {  	s2 =	sld [smem:$0x3FAD]  }
0x29: {  	s4 =	sld [smem:$0x3FAF]  }
0x2a: {  	p0 =	seq.s32 s5, $0x0;
	s5 =	sld [smem:$0x3FB0]  }
0x2b: {  	s6 =	sld [smem:$0x3FB1]  }
0x2c: {  	s7 =	sld [smem:$0x3FB2]  }
0x2d: {  	s3 =	simm.s32 $0x108;
	s8 =	sld [smem:$0x3FB3]  }
0x2e: {  	s3 =	simm.s32 @!p0 $0x1082;
	s9 =	sld [smem:$0x3FB4]  }
0x2f: {  	lr =	sadd.s32 s0, s3;
	s0 =	sld [smem:$0x3FAB]  }
0x30: {  	s3 =	sld [smem:$0x3FAE]  }
0x31: {  	[smem:$0x3FB7] =	sst s10  }
0x32: {  	s10 =	sld [smem:$0x3FB5];
	_ =	sdelay $0x3  }
0x33: {  	p0 =	seq.s32 s10, $0x1;
	s10 =	sld [smem:$0x3FB7];
	_ =	sdelay $0x3  }
0x34: {  	[smem:$0x3FB7] =	sst s10  }
0x35: {  	s10 =	sld [smem:$0x3FB6];
	_ =	sdelay $0x3  }
0x36: {  	p1 =	seq.s32 s10, $0x1;
	s10 =	sld [smem:$0x3FB7];
	_ =	sdelay $0x3  }
0x37: {  	[smem:$0x3FB7] =	sst s10  }
0x38: {  	s10 =	sld [smem:$0x3FB8]  }
0x39: {  	_ = 	snop;
	(pc) =	sbr.ind lr, $3  }
0x3a: {  	_ = 	snop  }
0x3b: {  	_ = 	snop  }
0x3c: {  	p2 =	seq.s32 s10, $0x1;
	s10 =	sld [smem:$0x3FB7]  }
0x3d: {  	_ =	shalt  }
0x3e: {  	_ =	shalt  }
0x3f: {  	_ =	shalt  }
0x40: {  	_ =	shalt  }
0x41: {  	_ =	shalt  }
0x42: {  	_ =	shalt  }
0x43: {  	_ =	shalt  }
0x44: {  	_ =	shalt  }
0x45: {  	_ =	shalt  }
0x46: {  	_ =	shalt  }
0x47: {  	_ =	shalt  }
0x48: {  	_ =	shalt  }
0x49: {  	_ =	shalt  }
0x4a: {  	_ =	shalt  }
0x4b: {  	_ =	shalt  }
0x4c: {  	_ =	shalt  }
0x4d: {  	_ =	shalt  }
0x4e: {  	_ =	shalt  }
0x4f: {  	_ =	shalt  }
0x50: {  	_ =	shalt  }
0x51: {  	_ =	shalt  }
0x52: {  	_ =	shalt  }
0x53: {  	_ =	shalt  }
0x54: {  	_ =	shalt  }
0x55: {  	_ =	shalt  }
0x56: {  	_ =	shalt  }
0x57: {  	_ =	shalt  }
0x58: {  	_ =	shalt  }
0x59: {  	_ =	shalt  }
0x5a: {  	_ =	shalt  }
0x5b: {  	_ =	shalt  }
0x5c: {  	_ =	shalt  }
0x5d: {  	_ =	shalt  }
0x5e: {  	_ =	shalt  }
0x5f: {  	_ =	shalt  }
0x60: {  	_ =	shalt  }
0x61: {  	_ =	shalt  }
0x62: {  	_ =	shalt  }
0x63: {  	_ =	shalt  }
0x64: {  	_ =	shalt  }
0x65: {  	_ =	shalt  }
0x66: {  	_ =	shalt  }
0x67: {  	_ =	shalt  }
0x68: {  	_ =	shalt  }
0x69: {  	_ =	shalt  }
0x6a: {  	_ =	shalt  }
0x6b: {  	_ =	shalt  }
0x6c: {  	_ =	shalt  }
0x6d: {  	_ =	shalt  }
0x6e: {  	_ =	shalt  }
0x6f: {  	_ =	shalt  }
0x70: {  	_ =	shalt  }
0x71: {  	_ =	shalt  }
0x72: {  	_ =	shalt  }
0x73: {  	_ =	shalt  }
0x74: {  	_ =	shalt  }
0x75: {  	_ =	shalt  }
0x76: {  	_ =	shalt  }
0x77: {  	_ =	shalt  }
0x78: {  	_ =	shalt  }
0x79: {  	_ =	shalt  }
0x7a: {  	_ =	shalt  }
0x7b: {  	_ =	shalt  }
0x7c: {  	_ =	shalt  }
0x7d: {  	_ =	shalt  }
0x7e: {  	_ =	shalt  }
0x7f: {  	_ =	shalt  }
0x80: {  	_ =	shalt  }
0x81: {  	_ =	shalt  }
0x82: {  	_ =	shalt  }
0x83: {  	_ =	shalt  }
0x84: {  	_ =	shalt  }
0x85: {  	_ =	shalt  }
0x86: {  	_ =	shalt  }
0x87: {  	_ =	shalt  }
.Lfunc_end0:
.L_simem_size_0:
called_computation_lowered:
.L_overlay_start_0:
0x88: {  	s2 =	sld [smem:$0x3FD9]  }
0x89: {  	s3 =	sld [smem:$0x3FFE];
	_ =	sdelay $0x1  }
0x8a: {  	s1 =	srdreg.scid  }
0x8b: {  	s0 =	sand.u32 $0x1, s1  }
0x8c: {  	s17 =	sshll.u32 s0, $0xA;
	s2 =	sadd.s32 s3, s2  }
0x8d: {  	s2 =	sadd.s32 s2, s17  }
0x8e: {  	[smem:$0x3FC3] =	sst s2  }
0x8f: {  	_ = 	snop  }
0x90: {  	s2 =	sld [smem:$0x3FC9]  }
0x91: {  	s18 =	sld [smem:$0x3FD0];
	(tm) =	ssettm $0x1  }
0x92: {  	s4 =	sld [smem:$0x3FFB];
	_ =	sdelay $0x3  }
0x93: {  	_ =	strace s4  }
0x94: {  	s4 =	sld [smem:$0x3FFC];
	_ =	sdelay $0x3  }
0x95: {  	_ =	strace s4  }
0x96: {  	s4 =	sld [smem:$0x3FFD];
	_ =	sdelay $0x3  }
0x97: {  	_ =	strace s4  }
0x98: {  	_ =	strace $0x8FFFFFFF  }
0x99: {  	s19 =	sld [smem:$0x3FDB];
	_ =	sdelay $0x1  }
0x9a: {  	s5 =	simm.s32 $_scs_section_size  }
0x9b: {  	s6 =	simm.s32 $_size__tile_overlayer_lowered;
	s7 =	simm.s32 $_tile_overlayer_lowered  }
0x9c: {  	s22 =	simm.s32 $0x1BFF;
	s21 =	sshll.u32 s7, $0x1;
	s4 =	sadd.s32 s5, s19  }
0x9d: {  	s8 =	simm.s32 $0x0;
	s20 =	sshll.u32 s6, $0x1;
	s6 =	sadd.s32 s21, s4  }
0x9e: {  	[timem:s8], [sflag:s22] =	dma.local [hbm:s6], s20  }
0x9f: {  	_ =	swait.ge [sflag:s22], s20  }
0xa0: {  	s5 =	ssub.s32 $0x0, s20;
	[sflag:s22] =	ssyncset.done $0x0  }
0xa1: {  	[sflag:s22] =	ssyncadd.s32 s5;
	_ =	sdelay $0x1  }
0xa2: {  	s23 =	simm.s32 $0x1B8B  }
0xa3: {  	_ =	swait.ge [sflag:s23], $0x1  }
0xa4: {  	[sflag:s23] =	ssyncset.done $0x0  }
0xa5: {  	s25 =	simm.s32 $0x1B8E;
	s24 =	sld [smem:$0x3FFE];
	[sflag:s23] =	ssyncadd.s32 $0xFFFFFFFF  }
0xa6: {  	s26 =	simm.s32 $execute0_lowered;
	[smem:$0x3FD2] =	sst s25  }
0xa7: {  	s6 =	sshll.u32 s26, $0x1;
	_ =	strace $0x80000046;
	[dreg:$0x1] =	wrdreg $0xFFFFFFFF  }
0xa8: {  	s28 =	simm.s32 $_size_execute0_lowered;
	s4 =	sadd.s32 s4, s6;
	[dreg:$0x0] =	wrdreg $0x0  }
0xa9: {  	s6 =	sshll.u32 s28, $0x1;
	[dreg:$0x2] =	wrdreg s4  }
0xaa: {  	[dreg:$0x3] =	wrdreg s6  }
0xab: {  	[dreg:$0x4] =	wrdreg $0xC0  }
0xac: {  	_ =	task [dreg:s8], $0x5FFFF  }
0xad: {  	[dreg:$0x1] =	wrdreg $0xFFFFFFFF  }
0xae: {  	[dreg:$0x0] =	wrdreg $0x60  }
0xaf: {  	[dreg:$0x2] =	wrdreg s2  }
0xb0: {  	[dreg:$0x3] =	wrdreg s18  }
0xb1: {  	[dreg:$0x4] =	wrdreg s24  }
0xb2: {  	[dreg:$0x5] =	wrdreg $0x8CA00  }
0xb3: {  	[dreg:$0x6] =	wrdreg $0x1CCA00  }
0xb4: {  	[dreg:$0x7] =	wrdreg $0x9  }
0xb5: {  	_ =	task.clear_ibuf [dreg:s8], $0x8FFFF;
	_ =	strace $0x90000046  }
0xb6: {  	s29 =	simm.s32 $0x9;
	_ =	strace $0x80000048  }
0xb7: {  	_ =	swait.ge [sflag:s29], $0x1  }
0xb8: {  	[sflag:s29] =	ssyncadd.s32 $0xFFFFFFFF  }
0xb9: {  	_ =	strace $0x90000048  }
0xba: {  	_ =	sfence  }
0xbb: {  	s30 =	sld [smem:$0x0];
	_ =	sdelay $0x2  }
0xbc: {  	s31 =	sshll.u32 s1, $0xD;
	s1 =	sshrl.u32 s1, $0x2  }
0xbd: {  	s3 =	sand.u32 $0x4000, s31;
	s1 =	sadd.s32 s1, s30  }
0xbe: {  	s0 =	sor.u32 s3, s0;
	s1 =	sshll.u32 s1, $0x11  }
0xbf: {  	s0 =	sor.u32 s1, s0  }
0xc0: {  	s0 =	sadd.s32 $0x8F2B, s0  }
0xc1: {  	[sflag:s0] =	ssyncadd.remote.s32 $0x1  }
0xc2: {  	_ =	sfence.sel $0xFFFF  }
0xc3: {  	[dreg:$0x0] =	wrdreg $0xFFFFFFFF;
	(pc) =	sbr.abs _section_cstart, $3  }
0xc4: {  	[dreg:$0x1] =	wrdreg $0xFFFFFFFF  }
0xc5: {  	_ =	task.clear_ibuf [dreg:s8], $0x2FFFF;
	_ =	strace $0x9FFFFFFF  }
0xc6: {  	(tm) =	ssettm $0x7FFFFFFF  }
0xc7: {  	_ =	shalt  }
tec
execute0_lowered:
.L_overlay_start_1:
0x0: {  	(tag) =	ssettag $0x1  }
0x1: {  	s0 =	rddreg [dreg:$0x0]  }
0x2: {  	s10 =	rddreg [dreg:$0x1]  }
0x3: {  	s7 =	rddreg [dreg:$0x2]  }
0x4: {  	s3 =	rddreg [dreg:$0x3]  }
0x5: {  	s1 =	srdreg.scid;
	s23 =	stileid.u32  }
0x6: {  	s4 =	rddreg [dreg:$0x4];
	s9 =	smul.u32 $0x2BC0, s23  }
0x7: {  	s5 =	simm.s32 $0x0;
	s20 =	simm.s32 $0x7080;
	s11 =	smul.u32 $0x14000, s23  }
0x8: {  	s21 =	simm.s32 $0x1;
	s6 =	sand.u32 $0x1, s1;
	s25 =	smul.u32 $0x2800, s23  }
0x9: {  	s28 =	simm.s32 $0x5748;
	s29 =	simm.s32 $0x0;
	s8 =	smul.u32 $0x2BC00, s6  }
0xa: {  	[smem:$0x7FF] =	sst s5;
	s31 =	sshll.u32 s23, $0x6;
	s14 =	smul.u32 $0x28000, s6  }
0xb: {  	_ =	strace $0x80000047;
	s15 =	smul.u32 $0x5000, s6;
	s16 =	ssub.s32 $0x2, s6  }
0xc: {  	s6 =	sadd.s32 $0xC000, s7;
	s22 =	sshrl.u32 s11, $0x3;
	s24 =	sshrl.u32 s25, $0x3  }
0xd: {  	s18 =	sshrl.u32 s16, $0x1;
	s30 =	sadd.s32 s11, s3;
	s19 =	sadd.s32 s25, s4  }
0xe: {  	s8 =	sadd.s32 s9, s8;
	s26 =	sadd.s32 s22, s7;
	s17 =	sadd.s32 s24, s7  }
0xf: {  	s14 =	sadd.s32 s14, s7;
	s15 =	sadd.s32 s15, s7;
	s16 =	ssub.s32 s16, s18  }
0x10: {  	s18 =	simm.s32 $0x32;
	s12 =	sshrl.u32 s8, $0x3;
	s8 =	sor.u32 $0x1C03, s31  }
0x11: {  	s9 =	sadd.s32 $0xC200, s17;
	s23 =	sadd.s32 $0x43200, s14;
	s25 =	sadd.s32 $0x39200, s15  }
0x12: {  	s14 =	simm.s32 $0x3;
	s15 =	sshrl.u32 s19, $0x3;
	s19 =	simm.s32 $0x5780  }
0x13: {  	s13 =	sadd.s32 s12, s7;
	s7 =	sadd.s32 $0x11200, s26;
	s10 =	sadd.s32 s10, s12  }
0x14: {  	s12 =	smax.u32 s16, $0x1;
	s16 =	simm.s32 $0x8980;
	s22 =	sadd.s32 s22, s23  }
0x15: {  	s23 =	simm.s32 $0x2;
	s24 =	sadd.s32 s24, s25;
	s25 =	simm.s32 $0x2B88  }
0x16: {  	s26 =	simm.s32 $0x5710;
	s11 =	sadd.s32 $0x1000, s13;
	s13 =	sshrl.u32 s30, $0x3  }
.LBB2_1:
0x17: {  	[spmem:s13], [sflag:s8] =	dma.local [hbm:s7], $0x2800  }
0x18: {  	_ =	swait.ge [sflag:s14], $0x2800  }
0x19: {  	[sflag:s14] =	ssyncset.done $0x0  }
0x1a: {  	[sflag:s14] =	ssyncadd.s32 $0xFFFFD800  }
0x1b: {  	[spmem:s15], [sflag:s8] =	dma.local [hbm:s9], $0x500  }
0x1c: {  	_ =	swait.ge [sflag:s14], $0x500  }
0x1d: {  	[sflag:s14] =	ssyncset.done $0x0  }
0x1e: {  	[sflag:s14] =	ssyncadd.s32 $0xFFFFFB00  }
0x1f: {  	[tilespmem:s16], [sflag:$0x3] =	stream.linear.gather [hbm4b:s6+s5], $0x320, $0x38;
	[tilespmem:$0x1F4A0] =	vst v63  }
0x20: {  	_ =	swait.ge [sflag:s14], $0x320  }
0x21: {  	[sflag:s14] =	ssyncset.done $0x0  }
0x22: {  	[sflag:s14] =	ssyncadd.s32 $0xFFFFFCE0  }
0x23: {  	[tilespmem:s5], [sflag:$0x3] =	stream.linear.gather [hbm4b:s10+s5], $0x2BC0, $0x38;
	[tilespmem:$0x1F4A0] =	vst v63  }
0x24: {  	_ =	swait.ge [sflag:s14], $0x2BC0  }
0x25: {  	[sflag:s14] =	ssyncset.done $0x0  }
0x26: {  	s1 =	simm.s32 $0x2BC0;
	[sflag:s14] =	ssyncadd.s32 $0xFFFFD440  }
0x27: {  	[tilespmem:s1], [sflag:$0x3] =	stream.linear.gather [hbm4b:s11+s5], $0x2BC0, $0x38;
	[tilespmem:$0x1F4A0] =	vst v63  }
0x28: {  	_ =	swait.ge [sflag:s14], $0x2BC0  }
0x29: {  	[sflag:s14] =	ssyncset.done $0x0  }
0x2a: {  	[sflag:s14] =	ssyncadd.s32 $0xFFFFD440  }
0x2b: {  	[bflag:$0x0] =	sbarrier.arrive $0xFFFF  }
0x2c: {  	[tilespmem:s19], [sflag:$0x1] =	stream.indirect.gather [hbm4b:s0+s18], $0x80, s5, s18, $0xb8;
	[tilespmem:$0x1F4A0] =	vst v63  }
0x2d: {  	s30 =	simm.s32 $0x38  }
0x2e: {  	[tilespmem:s20], [sflag:$0x2] =	stream.indirect.gather [hbm4b:s0+s18], $0x80, s30, s18, $0xb8;
	[tilespmem:$0x1F4A0] =	vst v63  }
0x2f: {  	_ =	swait.ge [sflag:s21], $0x1900  }
0x30: {  	[sflag:s21] =	ssyncset.done $0x0  }
0x31: {  	s30 =	simm.s32 $0x2BC0;
	[sflag:s21] =	ssyncadd.s32 $0xFFFFE700  }
0x32: {  	[spmem:s3] =	stream.indirect.scatter.add.f32 [tilespmem:s19], [sflag:$0x3], $0x80, s30, s18, $0xb8;
	[tilespmem:$0x1F4A0] =	vst v63  }
0x33: {  	_ =	swait.ge [sflag:s14], $0x1900  }
0x34: {  	[sflag:s14] =	ssyncset.done $0x0  }
0x35: {  	[sflag:s14] =	ssyncadd.s32 $0xFFFFE700  }
0x36: {  	[spmem:s4] =	stream.indirect.scatter.add.f32 [tilespmem:s16], [sflag:$0x3], $0x10, s30, s18, $0xb8;
	[tilespmem:$0x1F4A0] =	vst v63  }
0x37: {  	_ =	swait.ge [sflag:s14], $0x320  }
0x38: {  	[sflag:s14] =	ssyncset.done $0x0  }
0x39: {  	s30 =	simm.s32 $0x70;
	[sflag:s14] =	ssyncadd.s32 $0xFFFFFCE0  }
0x3a: {  	[tilespmem:s19], [sflag:$0x1] =	stream.indirect.gather [hbm4b:s0+s18], $0x80, s30, s18, $0xb8;
	[tilespmem:$0x1F4A0] =	vst v63  }
0x3b: {  	_ =	swait.ge [sflag:s23], $0x1900  }
0x3c: {  	[sflag:s23] =	ssyncset.done $0x0  }
0x3d: {  	s30 =	simm.s32 $0x2BF8;
	[sflag:s23] =	ssyncadd.s32 $0xFFFFE700  }
0x3e: {  	[spmem:s3] =	stream.indirect.scatter.add.f32 [tilespmem:s20], [sflag:$0x3], $0x80, s30, s18, $0xb8;
	[tilespmem:$0x1F4A0] =	vst v63  }
0x3f: {  	_ =	swait.ge [sflag:s14], $0x1900  }
0x40: {  	[sflag:s14] =	ssyncset.done $0x0  }
0x41: {  	[sflag:s14] =	ssyncadd.s32 $0xFFFFE700  }
0x42: {  	[spmem:s4] =	stream.indirect.scatter.add.f32 [tilespmem:s16], [sflag:$0x3], $0x10, s30, s18, $0xb8;
	[tilespmem:$0x1F4A0] =	vst v63  }
0x43: {  	_ =	swait.ge [sflag:s14], $0x320  }
0x44: {  	s31 =	simm.s32 $0x380;
	s30 =	simm.s32 $0x70;
	[sflag:s14] =	ssyncset.done $0x0  }
.LBB2_2:
0x45: {  	s1 =	sadd.s32 $0x38, s30  }
0x46: {  	[sflag:s14] =	ssyncadd.s32 $0xFFFFFCE0;
	s2 =	smov.u32 s31;
	s17 =	sadd.s32 $0x1C0, s31  }
0x47: {  	[tilespmem:s20], [sflag:$0x2] =	stream.indirect.gather [hbm4b:s0+s18], $0x80, s1, s18, $0xb8;
	[tilespmem:$0x1F4A0] =	vst v63  }
0x48: {  	p0 =	sne.s32 s31, $0xAB80;
	_ =	swait.ge [sflag:s21], $0x1900  }
0x49: {  	[sflag:s21] =	ssyncset.done $0x0  }
0x4a: {  	s1 =	sadd.s32 $0x2BC0, s30;
	[sflag:s21] =	ssyncadd.s32 $0xFFFFE700  }
0x4b: {  	[spmem:s3] =	stream.indirect.scatter.add.f32 [tilespmem:s19], [sflag:$0x3], $0x80, s1, s18, $0xb8;
	[tilespmem:$0x1F4A0] =	vst v63  }
0x4c: {  	_ =	swait.ge [sflag:s14], $0x1900  }
0x4d: {  	[sflag:s14] =	ssyncset.done $0x0  }
0x4e: {  	[sflag:s14] =	ssyncadd.s32 $0xFFFFE700  }
0x4f: {  	[spmem:s4] =	stream.indirect.scatter.add.f32 [tilespmem:s16], [sflag:$0x3], $0x10, s1, s18, $0xb8;
	[tilespmem:$0x1F4A0] =	vst v63  }
0x50: {  	_ =	swait.ge [sflag:s14], $0x320  }
0x51: {  	[sflag:s14] =	ssyncset.done $0x0  }
0x52: {  	s1 =	sadd.s32 $0x70, s30;
	[sflag:s14] =	ssyncadd.s32 $0xFFFFFCE0  }
0x53: {  	[tilespmem:s19], [sflag:$0x1] =	stream.indirect.gather [hbm4b:s0+s18], $0x80, s1, s18, $0xb8;
	[tilespmem:$0x1F4A0] =	vst v63  }
0x54: {  	_ =	swait.ge [sflag:s23], $0x1900  }
0x55: {  	[sflag:s23] =	ssyncset.done $0x0  }
0x56: {  	s1 =	sadd.s32 $0x2BF8, s30;
	[sflag:s23] =	ssyncadd.s32 $0xFFFFE700  }
0x57: {  	[spmem:s3] =	stream.indirect.scatter.add.f32 [tilespmem:s20], [sflag:$0x3], $0x80, s1, s18, $0xb8;
	[tilespmem:$0x1F4A0] =	vst v63  }
0x58: {  	_ =	swait.ge [sflag:s14], $0x1900  }
.Ltmp0:
0x59: {  	[sflag:s14] =	ssyncset.done $0x0;
	(pc) =	sbr.rel @p0 .LBB2_2-.Ltmp0, $4  }
0x5a: {  	[sflag:s14] =	ssyncadd.s32 $0xFFFFE700  }
0x5b: {  	[spmem:s4] =	stream.indirect.scatter.add.f32 [tilespmem:s16], [sflag:$0x3], $0x10, s1, s18, $0xb8;
	[tilespmem:$0x1F4A0] =	vst v63  }
0x5c: {  	_ =	swait.ge [sflag:s14], $0x320  }
0x5d: {  	s31 =	smov.u32 s17;
	s30 =	sshra.s32 s2, $0x2;
	[sflag:s14] =	ssyncset.done $0x0  }
0x5e: {  	s1 =	sadd.s32 $0x38, s30;
	[sflag:s14] =	ssyncadd.s32 $0xFFFFFCE0  }
0x5f: {  	[tilespmem:s20], [sflag:$0x2] =	stream.indirect.gather [hbm4b:s0+s18], $0x80, s1, s18, $0xb8;
	[tilespmem:$0x1F4A0] =	vst v63  }
0x60: {  	_ =	swait.ge [sflag:s21], $0x1900  }
0x61: {  	[sflag:s21] =	ssyncset.done $0x0  }
0x62: {  	s2 =	sadd.s32 $0x2BC0, s30;
	[sflag:s21] =	ssyncadd.s32 $0xFFFFE700  }
0x63: {  	[spmem:s3] =	stream.indirect.scatter.add.f32 [tilespmem:s19], [sflag:$0x3], $0x80, s2, s18, $0xb8;
	[tilespmem:$0x1F4A0] =	vst v63  }
0x64: {  	_ =	swait.ge [sflag:s14], $0x1900  }
0x65: {  	[sflag:s14] =	ssyncset.done $0x0  }
0x66: {  	[sflag:s14] =	ssyncadd.s32 $0xFFFFE700  }
0x67: {  	[spmem:s4] =	stream.indirect.scatter.add.f32 [tilespmem:s16], [sflag:$0x3], $0x10, s2, s18, $0xb8;
	[tilespmem:$0x1F4A0] =	vst v63  }
0x68: {  	_ =	swait.ge [sflag:s14], $0x320  }
0x69: {  	[sflag:s14] =	ssyncset.done $0x0  }
0x6a: {  	s17 =	sadd.s32 $0x70, s30;
	[sflag:s14] =	ssyncadd.s32 $0xFFFFFCE0  }
0x6b: {  	[tilespmem:s19], [sflag:$0x1] =	stream.indirect.gather [hbm4b:s0+s18], $0x80, s17, s18, $0xb8;
	[tilespmem:$0x1F4A0] =	vst v63  }
0x6c: {  	_ =	swait.ge [sflag:s23], $0x1900  }
0x6d: {  	[sflag:s23] =	ssyncset.done $0x0  }
0x6e: {  	s31 =	sadd.s32 $0x2BF8, s30;
	[sflag:s23] =	ssyncadd.s32 $0xFFFFE700  }
0x6f: {  	[spmem:s3] =	stream.indirect.scatter.add.f32 [tilespmem:s20], [sflag:$0x3], $0x80, s31, s18, $0xb8;
	[tilespmem:$0x1F4A0] =	vst v63  }
0x70: {  	_ =	swait.ge [sflag:s14], $0x1900  }
0x71: {  	[sflag:s14] =	ssyncset.done $0x0  }
0x72: {  	[sflag:s14] =	ssyncadd.s32 $0xFFFFE700  }
0x73: {  	[spmem:s4] =	stream.indirect.scatter.add.f32 [tilespmem:s16], [sflag:$0x3], $0x10, s31, s18, $0xb8;
	[tilespmem:$0x1F4A0] =	vst v63  }
0x74: {  	_ =	swait.ge [sflag:s14], $0x320  }
0x75: {  	[sflag:s14] =	ssyncset.done $0x0  }
0x76: {  	[sflag:s14] =	ssyncadd.s32 $0xFFFFFCE0  }
0x77: {  	[tilespmem:s20], [sflag:$0x2] =	stream.indirect.gather [hbm4b:s0+s18], $0x80, s25, s18, $0xb8;
	[tilespmem:$0x1F4A0] =	vst v63  }
0x78: {  	_ =	swait.ge [sflag:s21], $0x1900  }
0x79: {  	[sflag:s21] =	ssyncset.done $0x0  }
0x7a: {  	[sflag:s21] =	ssyncadd.s32 $0xFFFFE700  }
0x7b: {  	[spmem:s3] =	stream.indirect.scatter.add.f32 [tilespmem:s19], [sflag:$0x3], $0x80, s26, s18, $0xb8;
	[tilespmem:$0x1F4A0] =	vst v63  }
0x7c: {  	_ =	swait.ge [sflag:s14], $0x1900  }
0x7d: {  	[sflag:s14] =	ssyncset.done $0x0  }
0x7e: {  	[sflag:s14] =	ssyncadd.s32 $0xFFFFE700  }
0x7f: {  	[spmem:s4] =	stream.indirect.scatter.add.f32 [tilespmem:s16], [sflag:$0x3], $0x10, s26, s18, $0xb8;
	[tilespmem:$0x1F4A0] =	vst v63  }
0x80: {  	_ =	swait.ge [sflag:s14], $0x320  }
0x81: {  	[sflag:s14] =	ssyncset.done $0x0  }
0x82: {  	[sflag:s14] =	ssyncadd.s32 $0xFFFFFCE0  }
0x83: {  	[tilespmem:s19], [sflag:$0x1] =	stream.indirect.gather [hbm4b:s0+s18], $0x80, s5, s18, $0xb8;
	[tilespmem:$0x1F4A0] =	vst v63  }
0x84: {  	_ =	swait.ge [sflag:s23], $0x1900  }
0x85: {  	[sflag:s23] =	ssyncset.done $0x0  }
0x86: {  	[sflag:s23] =	ssyncadd.s32 $0xFFFFE700  }
0x87: {  	[spmem:s3] =	stream.indirect.scatter.add.f32 [tilespmem:s20], [sflag:$0x3], $0x80, s28, s18, $0xb8;
	[tilespmem:$0x1F4A0] =	vst v63  }
0x88: {  	_ =	swait.ge [sflag:s14], $0x1900  }
0x89: {  	[sflag:s14] =	ssyncset.done $0x0  }
0x8a: {  	[sflag:s14] =	ssyncadd.s32 $0xFFFFE700  }
0x8b: {  	[spmem:s4] =	stream.indirect.scatter.add.f32 [tilespmem:s16], [sflag:$0x3], $0x10, s28, s18, $0xb8;
	[tilespmem:$0x1F4A0] =	vst v63  }
0x8c: {  	_ =	swait.ge [sflag:s14], $0x320  }
0x8d: {  	[sflag:s14] =	ssyncset.done $0x0  }
0x8e: {  	[sflag:s14] =	ssyncadd.s32 $0xFFFFFCE0  }
0x8f: {  	_ =	swait.ge [sflag:s21], $0x1900  }
0x90: {  	[sflag:s21] =	ssyncset.done $0x0  }
0x91: {  	[sflag:s21] =	ssyncadd.s32 $0xFFFFE700  }
0x92: {  	[bflag:$0x0] =	sbarrier.arrive $0xFFFF  }
0x93: {  	[hbm:s22], [sflag:s8] =	dma.local [spmem:s13], $0x2800  }
0x94: {  	s29 =	sadd.s32 $0x1, s29;
	_ =	swait.ge [sflag:s14], $0x2800  }
0x95: {  	p0 =	sne.s32 s29, s12;
	[sflag:s14] =	ssyncset.done $0x0  }
.Ltmp1:
0x96: {  	[sflag:s14] =	ssyncadd.s32 $0xFFFFD800;
	(pc) =	sbr.rel @p0 .LBB2_1-.Ltmp1, $4  }
0x97: {  	[hbm:s24], [sflag:s8] =	dma.local [spmem:s15], $0x500  }
0x98: {  	_ =	swait.ge [sflag:s14], $0x500  }
0x99: {  	[sflag:s14] =	ssyncset.done $0x0  }
0x9a: {  	[sflag:s14] =	ssyncadd.s32 $0xFFFFFB00  }
0x9b: {  	_ =	sfence.sel $0x180000  }
0x9c: {  	[bflag:$0x0] =	sbarrier.arrive $0xFFFF  }
0x9d: {  	_ =	strace $0x90000047  }
0x9e: {  	s0 =	stileid.u32;
	[bflag:$0x2] =	sbarrier.arrive $0xFFFF  }
0x9f: {  	p0 =	sne.s32 s0, $0x0;
	s0 =	rddreg [dreg:$0x5]  }
0xa0: {  	s0 =	sadd.s32 @!p0 $0x100000, s0  }
0xa1: {  	[sflag:s0] =	ssyncadd.tile.s32 @!p0 $0x1;
	_ =	shalt  }
.Lfunc_end2:
_tile_overlayer_lowered:
.L_overlay_start_2:
0xa2: {  	(tag) =	ssettag $0x2  }
0xa3: {  	s0 =	rddreg [dreg:$0x0];
	s2 =	stileid.u32  }
0xa4: {  	s1 =	rddreg [dreg:$0x1];
	p0 =	sne.s32 s2, $0x0  }
0xa5: {  	s3 =	rddreg [dreg:$0x2];
	[bflag:$0x3] =	sbarrier.arrive $0xFFFF;
	s2 =	simm.s32 @!p0 $0x1C03  }
0xa6: {  	[timem:s3], [sflag:s2] =	dma.local @!p0 [hbm:s0], s1  }
0xa7: {  	s0 =	simm.s32 @!p0 $0x3  }
0xa8: {  	_ =	swait.ge @!p0 [sflag:s0], s1  }
0xa9: {  	s1 =	ssub.s32 @!p0 $0x0, s1;
	[sflag:s0] =	ssyncset.done @!p0 $0x0  }
0xaa: {  	[sflag:s0] =	ssyncadd.s32 @!p0 s1  }
0xab: {  	[bflag:$0x3] =	sbarrier.arrive $0xFFFF  }
0xac: {  	_ =	shalt  }

</sc_bundles>
